<compile_context>
chip_gen: v7x
topology: tpu7x:2x2x1
jax: 0.10.2.dev20260603
libtpu: 0.0.44.dev20260713+nightly
codegen_flags: <defaults>
</compile_context>

<pallas_src>
import jax
import jax.numpy as jnp
from jax import lax
from jax.experimental import pallas as pl
from jax.experimental.pallas import tpu as pltpu
from jax.experimental.pallas import tpu_sc as plsc

_BATCH = 4096
_HIST = 50
_D = 128
_B = _BATCH * _HIST
_NW = 32
_BPW = _B // _NW
_C = 128
_NCHUNK = _BPW // _C
_NBUF = 6


def _sc_gather(idx_hbm, table_hbm, out_hbm, idx_v, rows_v, tab_s, sem_g, sem_s):
    sid = lax.axis_index("s")
    wid = sid * 2 + lax.axis_index("c")

    @pl.when(sid == 0)
    def _():
        pltpu.sync_copy(table_hbm, tab_s)
    pltpu.sync_copy(idx_hbm.at[wid], idx_v)
    plsc.subcore_barrier()
    base = wid * _BPW

    def g_copy(c, b):
        return pltpu.make_async_copy(
            tab_s.at[idx_v.at[pl.ds(c * _C, _C)]],
            rows_v.at[b],
            sem_g.at[b],
        )

    def s_copy(c, b):
        return pltpu.make_async_copy(
            rows_v.at[b],
            out_hbm.at[pl.ds(base + c * _C, _C)],
            sem_s.at[b],
        )

    g_copy(0, 0).start()
    g_copy(1, 1).start()

    def step(c, carry):
        b = lax.rem(c, _NBUF)

        @pl.when(c + 2 < _NCHUNK)
        def _():
            bn = lax.rem(c + 2, _NBUF)

            @pl.when(c >= _NBUF - 2)
            def _():
                s_copy(c + 2 - _NBUF, bn).wait()

            g_copy(c + 2, bn).start()

        g_copy(c, b).wait()
        s_copy(c, b).start()
        return carry

    lax.fori_loop(0, _NCHUNK, step, 0)
    for k in range(_NCHUNK - _NBUF, _NCHUNK):
        s_copy(k, k % _NBUF).wait()


@jax.jit
def _run(indices_t_flat, embed_word):
    mesh = plsc.VectorSubcoreMesh(core_axis_name="c", subcore_axis_name="s")
    fn = pl.kernel(
        _sc_gather,
        out_type=jax.ShapeDtypeStruct((_B, _D), jnp.float32),
        mesh=mesh,
        scratch_types=[
            pltpu.VMEM((_BPW,), jnp.int32),
            pltpu.VMEM((_NBUF, _C, _D), jnp.float32),
            pltpu.VMEM_SHARED((1002, _D), jnp.float32),
            pltpu.SemaphoreType.DMA((_NBUF,)),
            pltpu.SemaphoreType.DMA((_NBUF,)),
        ],
    )
    return fn(indices_t_flat, embed_word)


def kernel(indices, embed_word):
    idx_t = indices.T.reshape(_NW, _BPW)
    out_t = _run(idx_t, embed_word)
    out_t = out_t.reshape(_HIST, _BATCH, _D)
    return out_t.transpose(1, 0, 2)

# --- scband reference (transcript-rebuilt; emitter-appended) ---
"""Pipeline reference for scband-base-model-23708219474275 (READ-ONLY COPY).

The authoritative reference and input builder live on the scoring server;
editing this copy changes nothing except your own understanding.
"""

import jax, jax.numpy as jnp
import numpy as np

VOCAB_SIZE = 1000  # len(dicts[0]) in the torch module
EMBED_SIZE = 128
BATCH = 4096
HIST = 50

def setup_inputs(seed: int = 0) -> dict:
    key = jax.random.key(seed)
    k_idx, k_w = jax.random.split(key)
    indices = jax.random.randint(k_idx, (BATCH, HIST), 0, VOCAB_SIZE, dtype=jnp.int32)
    # nn.Embedding(vocab_size + 2, embed_size) weight table
    embed_word = jax.random.normal(k_w, (VOCAB_SIZE + 2, EMBED_SIZE), dtype=jnp.float32) * 0.02
    return {"indices": indices, "embed_word": embed_word}

def reference(indices, embed_word):
    # BaseModel core op: self.embed_drop(self.embed_word(x)).
    # Dropout is identity at inference, so forward is a pure embedding gather.
    return jnp.take(embed_word, indices, axis=0)

if __name__ == "__main__":
    import jax
    _d = setup_inputs()
    print(jax.jit(kernel)(*tuple(_d.values())))

</pallas_src>

<mosaic_0001>
#map = affine_map<(d0, d1) -> (0, 0)>
module attributes {stable_mosaic.version = 14 : i64} {
  func.func @_sc_gather(%arg0: i32, %arg1: i32, %arg2: memref<32x6400xi32, #tpu.memory_space<hbm>>, %arg3: memref<1002x128xf32, #tpu.memory_space<hbm>>, %arg4: memref<204800x128xf32, #tpu.memory_space<hbm>>, %arg5: memref<6400xi32, #tpu.memory_space<vmem>>, %arg6: memref<6x128x128xf32, #tpu.memory_space<vmem>>, %arg7: memref<1002x128xf32, #tpu.memory_space<vmem_shared>>, %arg8: memref<6x!tpu.dma_semaphore, #tpu.memory_space<semaphore_mem>>, %arg9: memref<6x!tpu.dma_semaphore, #tpu.memory_space<semaphore_mem>>) attributes {dimension_semantics = [#tpu.dimension_semantics<core_parallel>, #tpu.dimension_semantics<subcore_parallel>], iteration_bounds = array<i64: 2, 16>, scalar_prefetch = 0 : i64, scratch_operands = 5 : i64, tpu.core_type = #tpu.core_type<sc_vector_subcore>, window_params = [{transform_indices = #map}, {transform_indices = #map}, {transform_indices = #map}]} {
    %mul3A = arith.constant 2 : i32
    %mul3A_0 = arith.muli %arg1, %mul3A : i32
    %add3A = arith.addi %mul3A_0, %arg0 : i32
    %eq3A = arith.constant 0 : i32
    %eq3A_1 = arith.cmpi eq, %arg1, %eq3A : i32
    %convert_element_type3A = arith.extui %eq3A_1 : i1 to i32
    %cond3A = arith.constant 0 : i32
    %cond3A_2 = arith.cmpi ne, %convert_element_type3A, %cond3A : i32
    scf.if %cond3A_2 {
      "tpu.region"() ({
        %run_scoped3A = tpu.sem_alloc : memref<!tpu.dma_semaphore, #tpu.memory_space<semaphore_mem>>
        tpu.enqueue_dma source(%arg3 : memref<1002x128xf32, #tpu.memory_space<hbm>>) target(%arg7 : memref<1002x128xf32, #tpu.memory_space<vmem_shared>>) target_semaphore(%run_scoped3A : memref<!tpu.dma_semaphore, #tpu.memory_space<semaphore_mem>>)
        tpu.wait_dma2 semaphore(%run_scoped3A : memref<!tpu.dma_semaphore, #tpu.memory_space<semaphore_mem>>) src(%arg3 : memref<1002x128xf32, #tpu.memory_space<hbm>>) dst(%arg7 : memref<1002x128xf32, #tpu.memory_space<vmem_shared>>)
        tpu.yield
      }) : () -> ()
    } else {
    }
    "tpu.region"() ({
      %run_scoped3A = tpu.sem_alloc : memref<!tpu.dma_semaphore, #tpu.memory_space<semaphore_mem>>
      %dma_start3A_142 = arith.constant 0 : i32
      %dma_start3A_143 = tpu.memref_slice %arg2[%add3A, %dma_start3A_142] : memref<32x6400xi32, #tpu.memory_space<hbm>> -> memref<1x6400xi32, #tpu.memory_space<hbm>>
      %dma_start3A_144 = tpu.memref_squeeze %dma_start3A_143 : memref<1x6400xi32, #tpu.memory_space<hbm>> -> memref<6400xi32, #tpu.memory_space<hbm>>
      %dma_start3A_145 = arith.constant 0 : i32
      %dma_start3A_146 = tpu.memref_slice %arg2[%add3A, %dma_start3A_145] : memref<32x6400xi32, #tpu.memory_space<hbm>> -> memref<1x6400xi32, #tpu.memory_space<hbm>>
      %dma_start3A_147 = tpu.memref_squeeze %dma_start3A_146 : memref<1x6400xi32, #tpu.memory_space<hbm>> -> memref<6400xi32, #tpu.memory_space<hbm>>
      tpu.enqueue_dma source(%dma_start3A_147 : memref<6400xi32, #tpu.memory_space<hbm>>) target(%arg5 : memref<6400xi32, #tpu.memory_space<vmem>>) target_semaphore(%run_scoped3A : memref<!tpu.dma_semaphore, #tpu.memory_space<semaphore_mem>>)
      %dma_wait3A_148 = arith.constant 0 : i32
      %dma_wait3A_149 = tpu.memref_slice %arg2[%add3A, %dma_wait3A_148] : memref<32x6400xi32, #tpu.memory_space<hbm>> -> memref<1x6400xi32, #tpu.memory_space<hbm>>
      %dma_wait3A_150 = tpu.memref_squeeze %dma_wait3A_149 : memref<1x6400xi32, #tpu.memory_space<hbm>> -> memref<6400xi32, #tpu.memory_space<hbm>>
      %dma_wait3A_151 = arith.constant 0 : i32
      %dma_wait3A_152 = tpu.memref_slice %arg2[%add3A, %dma_wait3A_151] : memref<32x6400xi32, #tpu.memory_space<hbm>> -> memref<1x6400xi32, #tpu.memory_space<hbm>>
      %dma_wait3A_153 = tpu.memref_squeeze %dma_wait3A_152 : memref<1x6400xi32, #tpu.memory_space<hbm>> -> memref<6400xi32, #tpu.memory_space<hbm>>
      tpu.wait_dma2 semaphore(%run_scoped3A : memref<!tpu.dma_semaphore, #tpu.memory_space<semaphore_mem>>) src(%dma_wait3A_153 : memref<6400xi32, #tpu.memory_space<hbm>>) dst(%arg5 : memref<6400xi32, #tpu.memory_space<vmem>>)
      tpu.yield
    }) : () -> ()
    %barrier3A = arith.constant 0 : index
    tpu.barrier barrier_id(%barrier3A)
    %mul3A_3 = arith.constant 6400 : i32
    %mul3A_4 = arith.muli %add3A, %mul3A_3 : i32
    %dma_start3A = arith.constant 0 : i32
    %dma_start3A_5 = arith.constant 0 : i32
    %dma_start3A_6 = arith.constant 0 : i32
    %dma_start3A_7 = arith.constant 0 : i32
    %dma_start3A_8 = tpu.memref_slice %arg6[%dma_start3A, %dma_start3A_6, %dma_start3A_7] : memref<6x128x128xf32, #tpu.memory_space<vmem>> -> memref<1x128x128xf32, #tpu.memory_space<vmem>>
    %dma_start3A_9 = tpu.memref_squeeze %dma_start3A_8 : memref<1x128x128xf32, #tpu.memory_space<vmem>> -> memref<128x128xf32, #tpu.memory_space<vmem>>
    %dma_start3A_10 = arith.constant 0 : i32
    %dma_start3A_11 = tpu.memref_slice %arg5[%dma_start3A_10] : memref<6400xi32, #tpu.memory_space<vmem>> -> memref<128xi32, #tpu.memory_space<vmem>>
    %dma_start3A_12 = arith.constant 0 : i32
    %dma_start3A_13 = arith.constant 0 : i32
    %dma_start3A_14 = tpu.memref_slice %arg7[%dma_start3A_12, %dma_start3A_13] : memref<1002x128xf32, #tpu.memory_space<vmem_shared>> -> memref<1002x128xf32, #tpu.memory_space<vmem_shared>>
    %dma_start3A_15 = tpu.memref_slice %arg8[%dma_start3A_5] : memref<6x!tpu.dma_semaphore, #tpu.memory_space<semaphore_mem>> -> memref<1x!tpu.dma_semaphore, #tpu.memory_space<semaphore_mem>>
    %dma_start3A_16 = tpu.memref_squeeze %dma_start3A_15 : memref<1x!tpu.dma_semaphore, #tpu.memory_space<semaphore_mem>> -> memref<!tpu.dma_semaphore, #tpu.memory_space<semaphore_mem>>
    tpu.enqueue_indirect_dma source(%dma_start3A_14 : memref<1002x128xf32, #tpu.memory_space<vmem_shared>>) target(%dma_start3A_9 : memref<128x128xf32, #tpu.memory_space<vmem>>) offsets(%dma_start3A_11 : memref<128xi32, #tpu.memory_space<vmem>>) semaphore(%dma_start3A_16 : memref<!tpu.dma_semaphore, #tpu.memory_space<semaphore_mem>>)
    %dma_start3A_17 = arith.constant 1 : i32
    %dma_start3A_18 = arith.constant 1 : i32
    %dma_start3A_19 = arith.constant 0 : i32
    %dma_start3A_20 = arith.constant 0 : i32
    %dma_start3A_21 = tpu.memref_slice %arg6[%dma_start3A_17, %dma_start3A_19, %dma_start3A_20] : memref<6x128x128xf32, #tpu.memory_space<vmem>> -> memref<1x128x128xf32, #tpu.memory_space<vmem>>
    %dma_start3A_22 = tpu.memref_squeeze %dma_start3A_21 : memref<1x128x128xf32, #tpu.memory_space<vmem>> -> memref<128x128xf32, #tpu.memory_space<vmem>>
    %dma_start3A_23 = arith.constant 128 : i32
    %dma_start3A_24 = tpu.memref_slice %arg5[%dma_start3A_23] : memref<6400xi32, #tpu.memory_space<vmem>> -> memref<128xi32, #tpu.memory_space<vmem>>
    %dma_start3A_25 = arith.constant 0 : i32
    %dma_start3A_26 = arith.constant 0 : i32
    %dma_start3A_27 = tpu.memref_slice %arg7[%dma_start3A_25, %dma_start3A_26] : memref<1002x128xf32, #tpu.memory_space<vmem_shared>> -> memref<1002x128xf32, #tpu.memory_space<vmem_shared>>
    %dma_start3A_28 = tpu.memref_slice %arg8[%dma_start3A_18] : memref<6x!tpu.dma_semaphore, #tpu.memory_space<semaphore_mem>> -> memref<1x!tpu.dma_semaphore, #tpu.memory_space<semaphore_mem>>
    %dma_start3A_29 = tpu.memref_squeeze %dma_start3A_28 : memref<1x!tpu.dma_semaphore, #tpu.memory_space<semaphore_mem>> -> memref<!tpu.dma_semaphore, #tpu.memory_space<semaphore_mem>>
    tpu.enqueue_indirect_dma source(%dma_start3A_27 : memref<1002x128xf32, #tpu.memory_space<vmem_shared>>) target(%dma_start3A_22 : memref<128x128xf32, #tpu.memory_space<vmem>>) offsets(%dma_start3A_24 : memref<128xi32, #tpu.memory_space<vmem>>) semaphore(%dma_start3A_29 : memref<!tpu.dma_semaphore, #tpu.memory_space<semaphore_mem>>)
    %scan3A = arith.constant 0 : i32
    %scan3A_30 = arith.constant 0 : i32
    %scan3A_31 = arith.constant 50 : i32
    %scan3A_32 = arith.addi %scan3A_30, %scan3A_31 : i32
    %scan3A_33 = arith.constant 1 : i32
    scf.for %scan3A_142 = %scan3A_30 to %scan3A_32 step %scan3A_33  : i32 {
      %rem3A = arith.constant 6 : i32
      %rem3A_143 = arith.remsi %scan3A_142, %rem3A : i32
      %add3A_144 = arith.constant 2 : i32
      %add3A_145 = arith.addi %scan3A_142, %add3A_144 : i32
      %lt3A = arith.constant 50 : i32
      %lt3A_146 = arith.cmpi slt, %add3A_145, %lt3A : i32
      %convert_element_type3A_147 = arith.extui %lt3A_146 : i1 to i32
      %cond3A_148 = arith.constant 0 : i32
      %cond3A_149 = arith.cmpi ne, %convert_element_type3A_147, %cond3A_148 : i32
      scf.if %cond3A_149 {
        %add3A_179 = arith.constant 2 : i32
        %add3A_180 = arith.addi %scan3A_142, %add3A_179 : i32
        %rem3A_181 = arith.constant 6 : i32
        %rem3A_182 = arith.remsi %add3A_180, %rem3A_181 : i32
        %ge3A = arith.constant 4 : i32
        %ge3A_183 = arith.cmpi sge, %scan3A_142, %ge3A : i32
        %convert_element_type3A_184 = arith.extui %ge3A_183 : i1 to i32
        %cond3A_185 = arith.constant 0 : i32
        %cond3A_186 = arith.cmpi ne, %convert_element_type3A_184, %cond3A_185 : i32
        scf.if %cond3A_186 {
          %add3A_201 = arith.constant 2 : i32
          %add3A_202 = arith.addi %scan3A_142, %add3A_201 : i32
          %sub3A = arith.constant 6 : i32
          %sub3A_203 = arith.subi %add3A_202, %sub3A : i32
          %mul3A_204 = arith.constant 128 : i32
          %mul3A_205 = arith.muli %sub3A_203, %mul3A_204 : i32
          %add3A_206 = arith.addi %mul3A_4, %mul3A_205 : i32
          %dma_wait3A_207 = arith.constant 0 : i32
          %dma_wait3A_208 = arith.constant 0 : i32
          %dma_wait3A_209 = tpu.memref_slice %arg6[%rem3A_182, %dma_wait3A_207, %dma_wait3A_208] : memref<6x128x128xf32, #tpu.memory_space<vmem>> -> memref<1x128x128xf32, #tpu.memory_space<vmem>>
          %dma_wait3A_210 = tpu.memref_squeeze %dma_wait3A_209 : memref<1x128x128xf32, #tpu.memory_space<vmem>> -> memref<128x128xf32, #tpu.memory_space<vmem>>
          %dma_wait3A_211 = arith.constant 0 : i32
          %dma_wait3A_212 = tpu.memref_slice %arg4[%add3A_206, %dma_wait3A_211] : memref<204800x128xf32, #tpu.memory_space<hbm>> -> memref<128x128xf32, #tpu.memory_space<hbm>>
          %dma_wait3A_213 = tpu.memref_slice %arg9[%rem3A_182] : memref<6x!tpu.dma_semaphore, #tpu.memory_space<semaphore_mem>> -> memref<1x!tpu.dma_semaphore, #tpu.memory_space<semaphore_mem>>
          %dma_wait3A_214 = tpu.memref_squeeze %dma_wait3A_213 : memref<1x!tpu.dma_semaphore, #tpu.memory_space<semaphore_mem>> -> memref<!tpu.dma_semaphore, #tpu.memory_space<semaphore_mem>>
          %dma_wait3A_215 = arith.constant 0 : i32
          %dma_wait3A_216 = tpu.memref_slice %arg4[%add3A_206, %dma_wait3A_215] : memref<204800x128xf32, #tpu.memory_space<hbm>> -> memref<128x128xf32, #tpu.memory_space<hbm>>
          %dma_wait3A_217 = arith.constant 0 : i32
          %dma_wait3A_218 = arith.constant 0 : i32
          %dma_wait3A_219 = tpu.memref_slice %arg6[%rem3A_182, %dma_wait3A_217, %dma_wait3A_218] : memref<6x128x128xf32, #tpu.memory_space<vmem>> -> memref<1x128x128xf32, #tpu.memory_space<vmem>>
          %dma_wait3A_220 = tpu.memref_squeeze %dma_wait3A_219 : memref<1x128x128xf32, #tpu.memory_space<vmem>> -> memref<128x128xf32, #tpu.memory_space<vmem>>
          tpu.wait_dma2 semaphore(%dma_wait3A_214 : memref<!tpu.dma_semaphore, #tpu.memory_space<semaphore_mem>>) src(%dma_wait3A_220 : memref<128x128xf32, #tpu.memory_space<vmem>>) dst(%dma_wait3A_216 : memref<128x128xf32, #tpu.memory_space<hbm>>)
        } else {
        }
        %add3A_187 = arith.constant 2 : i32
        %add3A_188 = arith.addi %scan3A_142, %add3A_187 : i32
        %mul3A_189 = arith.constant 128 : i32
        %mul3A_190 = arith.muli %add3A_188, %mul3A_189 : i32
        %dma_start3A_191 = arith.constant 0 : i32
        %dma_start3A_192 = arith.constant 0 : i32
        %dma_start3A_193 = tpu.memref_slice %arg6[%rem3A_182, %dma_start3A_191, %dma_start3A_192] : memref<6x128x128xf32, #tpu.memory_space<vmem>> -> memref<1x128x128xf32, #tpu.memory_space<vmem>>
        %dma_start3A_194 = tpu.memref_squeeze %dma_start3A_193 : memref<1x128x128xf32, #tpu.memory_space<vmem>> -> memref<128x128xf32, #tpu.memory_space<vmem>>
        %dma_start3A_195 = tpu.memref_slice %arg5[%mul3A_190] : memref<6400xi32, #tpu.memory_space<vmem>> -> memref<128xi32, #tpu.memory_space<vmem>>
        %dma_start3A_196 = arith.constant 0 : i32
        %dma_start3A_197 = arith.constant 0 : i32
        %dma_start3A_198 = tpu.memref_slice %arg7[%dma_start3A_196, %dma_start3A_197] : memref<1002x128xf32, #tpu.memory_space<vmem_shared>> -> memref<1002x128xf32, #tpu.memory_space<vmem_shared>>
        %dma_start3A_199 = tpu.memref_slice %arg8[%rem3A_182] : memref<6x!tpu.dma_semaphore, #tpu.memory_space<semaphore_mem>> -> memref<1x!tpu.dma_semaphore, #tpu.memory_space<semaphore_mem>>
        %dma_start3A_200 = tpu.memref_squeeze %dma_start3A_199 : memref<1x!tpu.dma_semaphore, #tpu.memory_space<semaphore_mem>> -> memref<!tpu.dma_semaphore, #tpu.memory_space<semaphore_mem>>
        tpu.enqueue_indirect_dma source(%dma_start3A_198 : memref<1002x128xf32, #tpu.memory_space<vmem_shared>>) target(%dma_start3A_194 : memref<128x128xf32, #tpu.memory_space<vmem>>) offsets(%dma_start3A_195 : memref<128xi32, #tpu.memory_space<vmem>>) semaphore(%dma_start3A_200 : memref<!tpu.dma_semaphore, #tpu.memory_space<semaphore_mem>>)
      } else {
      }
      %mul3A_150 = arith.constant 128 : i32
      %mul3A_151 = arith.muli %scan3A_142, %mul3A_150 : i32
      %dma_wait3A_152 = arith.constant 0 : i32
      %dma_wait3A_153 = arith.constant 0 : i32
      %dma_wait3A_154 = tpu.memref_slice %arg6[%rem3A_143, %dma_wait3A_152, %dma_wait3A_153] : memref<6x128x128xf32, #tpu.memory_space<vmem>> -> memref<1x128x128xf32, #tpu.memory_space<vmem>>
      %dma_wait3A_155 = tpu.memref_squeeze %dma_wait3A_154 : memref<1x128x128xf32, #tpu.memory_space<vmem>> -> memref<128x128xf32, #tpu.memory_space<vmem>>
      %dma_wait3A_156 = tpu.memref_slice %arg5[%mul3A_151] : memref<6400xi32, #tpu.memory_space<vmem>> -> memref<128xi32, #tpu.memory_space<vmem>>
      %dma_wait3A_157 = arith.constant 0 : i32
      %dma_wait3A_158 = arith.constant 0 : i32
      %dma_wait3A_159 = tpu.memref_slice %arg7[%dma_wait3A_157, %dma_wait3A_158] : memref<1002x128xf32, #tpu.memory_space<vmem_shared>> -> memref<1002x128xf32, #tpu.memory_space<vmem_shared>>
      %dma_wait3A_160 = tpu.memref_slice %arg8[%rem3A_143] : memref<6x!tpu.dma_semaphore, #tpu.memory_space<semaphore_mem>> -> memref<1x!tpu.dma_semaphore, #tpu.memory_space<semaphore_mem>>
      %dma_wait3A_161 = tpu.memref_squeeze %dma_wait3A_160 : memref<1x!tpu.dma_semaphore, #tpu.memory_space<semaphore_mem>> -> memref<!tpu.dma_semaphore, #tpu.memory_space<semaphore_mem>>
      tpu.wait_indirect_dma semaphore(%dma_wait3A_161 : memref<!tpu.dma_semaphore, #tpu.memory_space<semaphore_mem>>) src(%dma_wait3A_159 : memref<1002x128xf32, #tpu.memory_space<vmem_shared>>) dst(%dma_wait3A_155 : memref<128x128xf32, #tpu.memory_space<vmem>>)
      %mul3A_162 = arith.constant 128 : i32
      %mul3A_163 = arith.muli %scan3A_142, %mul3A_162 : i32
      %add3A_164 = arith.addi %mul3A_4, %mul3A_163 : i32
      %dma_start3A_165 = arith.constant 0 : i32
      %dma_start3A_166 = arith.constant 0 : i32
      %dma_start3A_167 = tpu.memref_slice %arg6[%rem3A_143, %dma_start3A_165, %dma_start3A_166] : memref<6x128x128xf32, #tpu.memory_space<vmem>> -> memref<1x128x128xf32, #tpu.memory_space<vmem>>
      %dma_start3A_168 = tpu.memref_squeeze %dma_start3A_167 : memref<1x128x128xf32, #tpu.memory_space<vmem>> -> memref<128x128xf32, #tpu.memory_space<vmem>>
      %dma_start3A_169 = arith.constant 0 : i32
      %dma_start3A_170 = tpu.memref_slice %arg4[%add3A_164, %dma_start3A_169] : memref<204800x128xf32, #tpu.memory_space<hbm>> -> memref<128x128xf32, #tpu.memory_space<hbm>>
      %dma_start3A_171 = tpu.memref_slice %arg9[%rem3A_143] : memref<6x!tpu.dma_semaphore, #tpu.memory_space<semaphore_mem>> -> memref<1x!tpu.dma_semaphore, #tpu.memory_space<semaphore_mem>>
      %dma_start3A_172 = tpu.memref_squeeze %dma_start3A_171 : memref<1x!tpu.dma_semaphore, #tpu.memory_space<semaphore_mem>> -> memref<!tpu.dma_semaphore, #tpu.memory_space<semaphore_mem>>
      %dma_start3A_173 = arith.constant 0 : i32
      %dma_start3A_174 = tpu.memref_slice %arg4[%add3A_164, %dma_start3A_173] : memref<204800x128xf32, #tpu.memory_space<hbm>> -> memref<128x128xf32, #tpu.memory_space<hbm>>
      %dma_start3A_175 = arith.constant 0 : i32
      %dma_start3A_176 = arith.constant 0 : i32
      %dma_start3A_177 = tpu.memref_slice %arg6[%rem3A_143, %dma_start3A_175, %dma_start3A_176] : memref<6x128x128xf32, #tpu.memory_space<vmem>> -> memref<1x128x128xf32, #tpu.memory_space<vmem>>
      %dma_start3A_178 = tpu.memref_squeeze %dma_start3A_177 : memref<1x128x128xf32, #tpu.memory_space<vmem>> -> memref<128x128xf32, #tpu.memory_space<vmem>>
      tpu.enqueue_dma source(%dma_start3A_178 : memref<128x128xf32, #tpu.memory_space<vmem>>) target(%dma_start3A_174 : memref<128x128xf32, #tpu.memory_space<hbm>>) target_semaphore(%dma_start3A_172 : memref<!tpu.dma_semaphore, #tpu.memory_space<semaphore_mem>>)
    }
    %scan3A_34 = arith.constant 50 : i32
    %add3A_35 = arith.constant 5632 : i32
    %add3A_36 = arith.addi %mul3A_4, %add3A_35 : i32
    %dma_wait3A = arith.constant 2 : i32
    %dma_wait3A_37 = arith.constant 2 : i32
    %dma_wait3A_38 = arith.constant 0 : i32
    %dma_wait3A_39 = arith.constant 0 : i32
    %dma_wait3A_40 = tpu.memref_slice %arg6[%dma_wait3A, %dma_wait3A_38, %dma_wait3A_39] : memref<6x128x128xf32, #tpu.memory_space<vmem>> -> memref<1x128x128xf32, #tpu.memory_space<vmem>>
    %dma_wait3A_41 = tpu.memref_squeeze %dma_wait3A_40 : memref<1x128x128xf32, #tpu.memory_space<vmem>> -> memref<128x128xf32, #tpu.memory_space<vmem>>
    %dma_wait3A_42 = arith.constant 0 : i32
    %dma_wait3A_43 = tpu.memref_slice %arg4[%add3A_36, %dma_wait3A_42] : memref<204800x128xf32, #tpu.memory_space<hbm>> -> memref<128x128xf32, #tpu.memory_space<hbm>>
    %dma_wait3A_44 = tpu.memref_slice %arg9[%dma_wait3A_37] : memref<6x!tpu.dma_semaphore, #tpu.memory_space<semaphore_mem>> -> memref<1x!tpu.dma_semaphore, #tpu.memory_space<semaphore_mem>>
    %dma_wait3A_45 = tpu.memref_squeeze %dma_wait3A_44 : memref<1x!tpu.dma_semaphore, #tpu.memory_space<semaphore_mem>> -> memref<!tpu.dma_semaphore, #tpu.memory_space<semaphore_mem>>
    %dma_wait3A_46 = arith.constant 0 : i32
    %dma_wait3A_47 = tpu.memref_slice %arg4[%add3A_36, %dma_wait3A_46] : memref<204800x128xf32, #tpu.memory_space<hbm>> -> memref<128x128xf32, #tpu.memory_space<hbm>>
    %dma_wait3A_48 = arith.constant 0 : i32
    %dma_wait3A_49 = arith.constant 0 : i32
    %dma_wait3A_50 = tpu.memref_slice %arg6[%dma_wait3A, %dma_wait3A_48, %dma_wait3A_49] : memref<6x128x128xf32, #tpu.memory_space<vmem>> -> memref<1x128x128xf32, #tpu.memory_space<vmem>>
    %dma_wait3A_51 = tpu.memref_squeeze %dma_wait3A_50 : memref<1x128x128xf32, #tpu.memory_space<vmem>> -> memref<128x128xf32, #tpu.memory_space<vmem>>
    tpu.wait_dma2 semaphore(%dma_wait3A_45 : memref<!tpu.dma_semaphore, #tpu.memory_space<semaphore_mem>>) src(%dma_wait3A_51 : memref<128x128xf32, #tpu.memory_space<vmem>>) dst(%dma_wait3A_47 : memref<128x128xf32, #tpu.memory_space<hbm>>)
    %add3A_52 = arith.constant 5760 : i32
    %add3A_53 = arith.addi %mul3A_4, %add3A_52 : i32
    %dma_wait3A_54 = arith.constant 3 : i32
    %dma_wait3A_55 = arith.constant 3 : i32
    %dma_wait3A_56 = arith.constant 0 : i32
    %dma_wait3A_57 = arith.constant 0 : i32
    %dma_wait3A_58 = tpu.memref_slice %arg6[%dma_wait3A_54, %dma_wait3A_56, %dma_wait3A_57] : memref<6x128x128xf32, #tpu.memory_space<vmem>> -> memref<1x128x128xf32, #tpu.memory_space<vmem>>
    %dma_wait3A_59 = tpu.memref_squeeze %dma_wait3A_58 : memref<1x128x128xf32, #tpu.memory_space<vmem>> -> memref<128x128xf32, #tpu.memory_space<vmem>>
    %dma_wait3A_60 = arith.constant 0 : i32
    %dma_wait3A_61 = tpu.memref_slice %arg4[%add3A_53, %dma_wait3A_60] : memref<204800x128xf32, #tpu.memory_space<hbm>> -> memref<128x128xf32, #tpu.memory_space<hbm>>
    %dma_wait3A_62 = tpu.memref_slice %arg9[%dma_wait3A_55] : memref<6x!tpu.dma_semaphore, #tpu.memory_space<semaphore_mem>> -> memref<1x!tpu.dma_semaphore, #tpu.memory_space<semaphore_mem>>
    %dma_wait3A_63 = tpu.memref_squeeze %dma_wait3A_62 : memref<1x!tpu.dma_semaphore, #tpu.memory_space<semaphore_mem>> -> memref<!tpu.dma_semaphore, #tpu.memory_space<semaphore_mem>>
    %dma_wait3A_64 = arith.constant 0 : i32
    %dma_wait3A_65 = tpu.memref_slice %arg4[%add3A_53, %dma_wait3A_64] : memref<204800x128xf32, #tpu.memory_space<hbm>> -> memref<128x128xf32, #tpu.memory_space<hbm>>
    %dma_wait3A_66 = arith.constant 0 : i32
    %dma_wait3A_67 = arith.constant 0 : i32
    %dma_wait3A_68 = tpu.memref_slice %arg6[%dma_wait3A_54, %dma_wait3A_66, %dma_wait3A_67] : memref<6x128x128xf32, #tpu.memory_space<vmem>> -> memref<1x128x128xf32, #tpu.memory_space<vmem>>
    %dma_wait3A_69 = tpu.memref_squeeze %dma_wait3A_68 : memref<1x128x128xf32, #tpu.memory_space<vmem>> -> memref<128x128xf32, #tpu.memory_space<vmem>>
    tpu.wait_dma2 semaphore(%dma_wait3A_63 : memref<!tpu.dma_semaphore, #tpu.memory_space<semaphore_mem>>) src(%dma_wait3A_69 : memref<128x128xf32, #tpu.memory_space<vmem>>) dst(%dma_wait3A_65 : memref<128x128xf32, #tpu.memory_space<hbm>>)
    %add3A_70 = arith.constant 5888 : i32
    %add3A_71 = arith.addi %mul3A_4, %add3A_70 : i32
    %dma_wait3A_72 = arith.constant 4 : i32
    %dma_wait3A_73 = arith.constant 4 : i32
    %dma_wait3A_74 = arith.constant 0 : i32
    %dma_wait3A_75 = arith.constant 0 : i32
    %dma_wait3A_76 = tpu.memref_slice %arg6[%dma_wait3A_72, %dma_wait3A_74, %dma_wait3A_75] : memref<6x128x128xf32, #tpu.memory_space<vmem>> -> memref<1x128x128xf32, #tpu.memory_space<vmem>>
    %dma_wait3A_77 = tpu.memref_squeeze %dma_wait3A_76 : memref<1x128x128xf32, #tpu.memory_space<vmem>> -> memref<128x128xf32, #tpu.memory_space<vmem>>
    %dma_wait3A_78 = arith.constant 0 : i32
    %dma_wait3A_79 = tpu.memref_slice %arg4[%add3A_71, %dma_wait3A_78] : memref<204800x128xf32, #tpu.memory_space<hbm>> -> memref<128x128xf32, #tpu.memory_space<hbm>>
    %dma_wait3A_80 = tpu.memref_slice %arg9[%dma_wait3A_73] : memref<6x!tpu.dma_semaphore, #tpu.memory_space<semaphore_mem>> -> memref<1x!tpu.dma_semaphore, #tpu.memory_space<semaphore_mem>>
    %dma_wait3A_81 = tpu.memref_squeeze %dma_wait3A_80 : memref<1x!tpu.dma_semaphore, #tpu.memory_space<semaphore_mem>> -> memref<!tpu.dma_semaphore, #tpu.memory_space<semaphore_mem>>
    %dma_wait3A_82 = arith.constant 0 : i32
    %dma_wait3A_83 = tpu.memref_slice %arg4[%add3A_71, %dma_wait3A_82] : memref<204800x128xf32, #tpu.memory_space<hbm>> -> memref<128x128xf32, #tpu.memory_space<hbm>>
    %dma_wait3A_84 = arith.constant 0 : i32
    %dma_wait3A_85 = arith.constant 0 : i32
    %dma_wait3A_86 = tpu.memref_slice %arg6[%dma_wait3A_72, %dma_wait3A_84, %dma_wait3A_85] : memref<6x128x128xf32, #tpu.memory_space<vmem>> -> memref<1x128x128xf32, #tpu.memory_space<vmem>>
    %dma_wait3A_87 = tpu.memref_squeeze %dma_wait3A_86 : memref<1x128x128xf32, #tpu.memory_space<vmem>> -> memref<128x128xf32, #tpu.memory_space<vmem>>
    tpu.wait_dma2 semaphore(%dma_wait3A_81 : memref<!tpu.dma_semaphore, #tpu.memory_space<semaphore_mem>>) src(%dma_wait3A_87 : memref<128x128xf32, #tpu.memory_space<vmem>>) dst(%dma_wait3A_83 : memref<128x128xf32, #tpu.memory_space<hbm>>)
    %add3A_88 = arith.constant 6016 : i32
    %add3A_89 = arith.addi %mul3A_4, %add3A_88 : i32
    %dma_wait3A_90 = arith.constant 5 : i32
    %dma_wait3A_91 = arith.constant 5 : i32
    %dma_wait3A_92 = arith.constant 0 : i32
    %dma_wait3A_93 = arith.constant 0 : i32
    %dma_wait3A_94 = tpu.memref_slice %arg6[%dma_wait3A_90, %dma_wait3A_92, %dma_wait3A_93] : memref<6x128x128xf32, #tpu.memory_space<vmem>> -> memref<1x128x128xf32, #tpu.memory_space<vmem>>
    %dma_wait3A_95 = tpu.memref_squeeze %dma_wait3A_94 : memref<1x128x128xf32, #tpu.memory_space<vmem>> -> memref<128x128xf32, #tpu.memory_space<vmem>>
    %dma_wait3A_96 = arith.constant 0 : i32
    %dma_wait3A_97 = tpu.memref_slice %arg4[%add3A_89, %dma_wait3A_96] : memref<204800x128xf32, #tpu.memory_space<hbm>> -> memref<128x128xf32, #tpu.memory_space<hbm>>
    %dma_wait3A_98 = tpu.memref_slice %arg9[%dma_wait3A_91] : memref<6x!tpu.dma_semaphore, #tpu.memory_space<semaphore_mem>> -> memref<1x!tpu.dma_semaphore, #tpu.memory_space<semaphore_mem>>
    %dma_wait3A_99 = tpu.memref_squeeze %dma_wait3A_98 : memref<1x!tpu.dma_semaphore, #tpu.memory_space<semaphore_mem>> -> memref<!tpu.dma_semaphore, #tpu.memory_space<semaphore_mem>>
    %dma_wait3A_100 = arith.constant 0 : i32
    %dma_wait3A_101 = tpu.memref_slice %arg4[%add3A_89, %dma_wait3A_100] : memref<204800x128xf32, #tpu.memory_space<hbm>> -> memref<128x128xf32, #tpu.memory_space<hbm>>
    %dma_wait3A_102 = arith.constant 0 : i32
    %dma_wait3A_103 = arith.constant 0 : i32
    %dma_wait3A_104 = tpu.memref_slice %arg6[%dma_wait3A_90, %dma_wait3A_102, %dma_wait3A_103] : memref<6x128x128xf32, #tpu.memory_space<vmem>> -> memref<1x128x128xf32, #tpu.memory_space<vmem>>
    %dma_wait3A_105 = tpu.memref_squeeze %dma_wait3A_104 : memref<1x128x128xf32, #tpu.memory_space<vmem>> -> memref<128x128xf32, #tpu.memory_space<vmem>>
    tpu.wait_dma2 semaphore(%dma_wait3A_99 : memref<!tpu.dma_semaphore, #tpu.memory_space<semaphore_mem>>) src(%dma_wait3A_105 : memref<128x128xf32, #tpu.memory_space<vmem>>) dst(%dma_wait3A_101 : memref<128x128xf32, #tpu.memory_space<hbm>>)
    %add3A_106 = arith.constant 6144 : i32
    %add3A_107 = arith.addi %mul3A_4, %add3A_106 : i32
    %dma_wait3A_108 = arith.constant 0 : i32
    %dma_wait3A_109 = arith.constant 0 : i32
    %dma_wait3A_110 = arith.constant 0 : i32
    %dma_wait3A_111 = arith.constant 0 : i32
    %dma_wait3A_112 = tpu.memref_slice %arg6[%dma_wait3A_108, %dma_wait3A_110, %dma_wait3A_111] : memref<6x128x128xf32, #tpu.memory_space<vmem>> -> memref<1x128x128xf32, #tpu.memory_space<vmem>>
    %dma_wait3A_113 = tpu.memref_squeeze %dma_wait3A_112 : memref<1x128x128xf32, #tpu.memory_space<vmem>> -> memref<128x128xf32, #tpu.memory_space<vmem>>
    %dma_wait3A_114 = arith.constant 0 : i32
    %dma_wait3A_115 = tpu.memref_slice %arg4[%add3A_107, %dma_wait3A_114] : memref<204800x128xf32, #tpu.memory_space<hbm>> -> memref<128x128xf32, #tpu.memory_space<hbm>>
    %dma_wait3A_116 = tpu.memref_slice %arg9[%dma_wait3A_109] : memref<6x!tpu.dma_semaphore, #tpu.memory_space<semaphore_mem>> -> memref<1x!tpu.dma_semaphore, #tpu.memory_space<semaphore_mem>>
    %dma_wait3A_117 = tpu.memref_squeeze %dma_wait3A_116 : memref<1x!tpu.dma_semaphore, #tpu.memory_space<semaphore_mem>> -> memref<!tpu.dma_semaphore, #tpu.memory_space<semaphore_mem>>
    %dma_wait3A_118 = arith.constant 0 : i32
    %dma_wait3A_119 = tpu.memref_slice %arg4[%add3A_107, %dma_wait3A_118] : memref<204800x128xf32, #tpu.memory_space<hbm>> -> memref<128x128xf32, #tpu.memory_space<hbm>>
    %dma_wait3A_120 = arith.constant 0 : i32
    %dma_wait3A_121 = arith.constant 0 : i32
    %dma_wait3A_122 = tpu.memref_slice %arg6[%dma_wait3A_108, %dma_wait3A_120, %dma_wait3A_121] : memref<6x128x128xf32, #tpu.memory_space<vmem>> -> memref<1x128x128xf32, #tpu.memory_space<vmem>>
    %dma_wait3A_123 = tpu.memref_squeeze %dma_wait3A_122 : memref<1x128x128xf32, #tpu.memory_space<vmem>> -> memref<128x128xf32, #tpu.memory_space<vmem>>
    tpu.wait_dma2 semaphore(%dma_wait3A_117 : memref<!tpu.dma_semaphore, #tpu.memory_space<semaphore_mem>>) src(%dma_wait3A_123 : memref<128x128xf32, #tpu.memory_space<vmem>>) dst(%dma_wait3A_119 : memref<128x128xf32, #tpu.memory_space<hbm>>)
    %add3A_124 = arith.constant 6272 : i32
    %add3A_125 = arith.addi %mul3A_4, %add3A_124 : i32
    %dma_wait3A_126 = arith.constant 1 : i32
    %dma_wait3A_127 = arith.constant 1 : i32
    %dma_wait3A_128 = arith.constant 0 : i32
    %dma_wait3A_129 = arith.constant 0 : i32
    %dma_wait3A_130 = tpu.memref_slice %arg6[%dma_wait3A_126, %dma_wait3A_128, %dma_wait3A_129] : memref<6x128x128xf32, #tpu.memory_space<vmem>> -> memref<1x128x128xf32, #tpu.memory_space<vmem>>
    %dma_wait3A_131 = tpu.memref_squeeze %dma_wait3A_130 : memref<1x128x128xf32, #tpu.memory_space<vmem>> -> memref<128x128xf32, #tpu.memory_space<vmem>>
    %dma_wait3A_132 = arith.constant 0 : i32
    %dma_wait3A_133 = tpu.memref_slice %arg4[%add3A_125, %dma_wait3A_132] : memref<204800x128xf32, #tpu.memory_space<hbm>> -> memref<128x128xf32, #tpu.memory_space<hbm>>
    %dma_wait3A_134 = tpu.memref_slice %arg9[%dma_wait3A_127] : memref<6x!tpu.dma_semaphore, #tpu.memory_space<semaphore_mem>> -> memref<1x!tpu.dma_semaphore, #tpu.memory_space<semaphore_mem>>
    %dma_wait3A_135 = tpu.memref_squeeze %dma_wait3A_134 : memref<1x!tpu.dma_semaphore, #tpu.memory_space<semaphore_mem>> -> memref<!tpu.dma_semaphore, #tpu.memory_space<semaphore_mem>>
    %dma_wait3A_136 = arith.constant 0 : i32
    %dma_wait3A_137 = tpu.memref_slice %arg4[%add3A_125, %dma_wait3A_136] : memref<204800x128xf32, #tpu.memory_space<hbm>> -> memref<128x128xf32, #tpu.memory_space<hbm>>
    %dma_wait3A_138 = arith.constant 0 : i32
    %dma_wait3A_139 = arith.constant 0 : i32
    %dma_wait3A_140 = tpu.memref_slice %arg6[%dma_wait3A_126, %dma_wait3A_138, %dma_wait3A_139] : memref<6x128x128xf32, #tpu.memory_space<vmem>> -> memref<1x128x128xf32, #tpu.memory_space<vmem>>
    %dma_wait3A_141 = tpu.memref_squeeze %dma_wait3A_140 : memref<1x128x128xf32, #tpu.memory_space<vmem>> -> memref<128x128xf32, #tpu.memory_space<vmem>>
    tpu.wait_dma2 semaphore(%dma_wait3A_135 : memref<!tpu.dma_semaphore, #tpu.memory_space<semaphore_mem>>) src(%dma_wait3A_141 : memref<128x128xf32, #tpu.memory_space<vmem>>) dst(%dma_wait3A_137 : memref<128x128xf32, #tpu.memory_space<hbm>>)
    return
  }
}

</mosaic_0001>

<sc_bundles>
// kernel: _run.3.cloned.1.call-start
scs
__scs_entry_jumppad:
0x0: {  	(pc) =	sbr.rel $0x88, $3  }
0x1: {  	(tag) =	ssettag $0x0;
	lr =	simm.s32 $0x1  }
0x2: {  	[smem:$0x3F9F] =	sst lr;
	_ =	strace $0xD0000000  }
0x3: {  	_ = 	snop  }
0x4: {  	_ = 	snop  }
0x5: {  	_ = 	snop  }
0x6: {  	_ = 	snop  }
0x7: {  	_ = 	snop  }
__scs_overlays_trampoline_lowered:
0x8: {  	[smem:$0x3FAE] =	sst s0  }
0x9: {  	[smem:$0x3FAF] =	sst s1  }
0xa: {  	[smem:$0x3FB0] =	sst s2  }
0xb: {  	[smem:$0x3FB1] =	sst s3  }
0xc: {  	[smem:$0x3FB2] =	sst s4  }
0xd: {  	[smem:$0x3FB3] =	sst s5  }
0xe: {  	[smem:$0x3FB4] =	sst s6  }
0xf: {  	[smem:$0x3FB5] =	sst s7  }
0x10: {  	[smem:$0x3FB6] =	sst s8  }
0x11: {  	[smem:$0x3FB7] =	sst s9;
	s0 =	simm.s32 @!p0 $0x0  }
0x12: {  	s1 =	sld [smem:$0x3F9D];
	s0 =	simm.s32 @p0 $0x1  }
0x13: {  	[smem:$0x3FB8] =	sst s0;
	s0 =	simm.s32 @!p1 $0x0  }
0x14: {  	s2 =	sld [smem:$0x3F9C];
	s0 =	simm.s32 @p1 $0x1  }
0x15: {  	[smem:$0x3FB9] =	sst s0;
	s0 =	simm.s32 @!p2 $0x0  }
0x16: {  	s3 =	sld [smem:$0x3FDB];
	s0 =	simm.s32 @p2 $0x1  }
0x17: {  	s4 =	simm.s32 $0x1BF5;
	[smem:$0x3FBB] =	sst s0  }
0x18: {  	s0 =	sld [smem:$0x3F9E];
	_ =	swait.ge [sflag:s4], $0x0  }
0x19: {  	s7 =	sld [smem:$0x3F9F]  }
0x1a: {  	s8 =	sadd.s32 $0xFFFFE003, lr  }
0x1b: {  	s9 =	sadd.s32 $0xFFFFFEF7, lr;
	s5 =	simm.s32 $0xFFFFFFFF;
	p2 =	slt.u32 s8, $0xFFFFF086  }
0x1c: {  	p1 =	slt.u32 s9, $0xF7A;
	s5 =	simm.s32 @!p2 $0x0  }
0x1d: {  	s5 =	simm.s32 @p1 $0x1;
	p0 =	seq.s32 s7, s2  }
0x1e: {  	s7 =	smul.u32 @!p0 $0xF7A, s2;
	p2 =	seq.s32 @!p0 s5, $0x0  }
0x1f: {  	s9 =	smul.u32 $0xF7A, s1;
	s8 =	simm.s32 @!p0 $0x1BF5;
	p2 =	por !p2, p0  }
0x20: {  	[sflag:s8] =	ssyncset.s32 @!p0 $0xFFFFF086;
	s6 =	sadd.s32 @!p0 s3, s7;
	s7 =	simm.s32 @!p0 $0x108  }
0x21: {  	s3 =	sadd.s32 s3, s9;
	s6 =	sadd.s32 @!p0 $0x88, s6;
	s7 =	simm.s32 @p2 $0x1082  }
0x22: {  	[simem:s7], [sflag:s8] =	dma.local @!p0 [hbm:s6], $0xF7A  }
0x23: {  	s9 =	sor.u32 $0xD0000000, s2;
	s6 =	simm.s32 $0x108;
	_ =	swait.ge @!p0 [sflag:s8], $0x0  }
0x24: {  	s3 =	sadd.s32 $0x88, s3;
	s6 =	simm.s32 @!p1 $0x1082;
	[sflag:s4] =	ssyncset.s32 $0xFFFFF086  }
0x25: {  	[simem:s6], [sflag:s4] =	dma.local [hbm:s3], $0xF7A  }
0x26: {  	[smem:$0x3F9F] =	sst s1;
	(tag) =	ssettag s2;
	_ =	strace s9  }
0x27: {  	s1 =	sld [smem:$0x3FAF]  }
0x28: {  	s2 =	sld [smem:$0x3FB0]  }
0x29: {  	s4 =	sld [smem:$0x3FB2]  }
0x2a: {  	p0 =	seq.s32 s5, $0x0;
	s5 =	sld [smem:$0x3FB3]  }
0x2b: {  	s6 =	sld [smem:$0x3FB4]  }
0x2c: {  	s7 =	sld [smem:$0x3FB5]  }
0x2d: {  	s3 =	simm.s32 $0x108;
	s8 =	sld [smem:$0x3FB6]  }
0x2e: {  	s3 =	simm.s32 @!p0 $0x1082;
	s9 =	sld [smem:$0x3FB7]  }
0x2f: {  	lr =	sadd.s32 s0, s3;
	s0 =	sld [smem:$0x3FAE]  }
0x30: {  	s3 =	sld [smem:$0x3FB1]  }
0x31: {  	[smem:$0x3FBA] =	sst s10  }
0x32: {  	s10 =	sld [smem:$0x3FB8];
	_ =	sdelay $0x3  }
0x33: {  	p0 =	seq.s32 s10, $0x1;
	s10 =	sld [smem:$0x3FBA];
	_ =	sdelay $0x3  }
0x34: {  	[smem:$0x3FBA] =	sst s10  }
0x35: {  	s10 =	sld [smem:$0x3FB9];
	_ =	sdelay $0x3  }
0x36: {  	p1 =	seq.s32 s10, $0x1;
	s10 =	sld [smem:$0x3FBA];
	_ =	sdelay $0x3  }
0x37: {  	[smem:$0x3FBA] =	sst s10  }
0x38: {  	s10 =	sld [smem:$0x3FBB]  }
0x39: {  	_ = 	snop;
	(pc) =	sbr.ind lr, $3  }
0x3a: {  	_ = 	snop  }
0x3b: {  	_ = 	snop  }
0x3c: {  	p2 =	seq.s32 s10, $0x1;
	s10 =	sld [smem:$0x3FBA]  }
0x3d: {  	_ =	shalt  }
0x3e: {  	_ =	shalt  }
0x3f: {  	_ =	shalt  }
0x40: {  	_ =	shalt  }
0x41: {  	_ =	shalt  }
0x42: {  	_ =	shalt  }
0x43: {  	_ =	shalt  }
0x44: {  	_ =	shalt  }
0x45: {  	_ =	shalt  }
0x46: {  	_ =	shalt  }
0x47: {  	_ =	shalt  }
0x48: {  	_ =	shalt  }
0x49: {  	_ =	shalt  }
0x4a: {  	_ =	shalt  }
0x4b: {  	_ =	shalt  }
0x4c: {  	_ =	shalt  }
0x4d: {  	_ =	shalt  }
0x4e: {  	_ =	shalt  }
0x4f: {  	_ =	shalt  }
0x50: {  	_ =	shalt  }
0x51: {  	_ =	shalt  }
0x52: {  	_ =	shalt  }
0x53: {  	_ =	shalt  }
0x54: {  	_ =	shalt  }
0x55: {  	_ =	shalt  }
0x56: {  	_ =	shalt  }
0x57: {  	_ =	shalt  }
0x58: {  	_ =	shalt  }
0x59: {  	_ =	shalt  }
0x5a: {  	_ =	shalt  }
0x5b: {  	_ =	shalt  }
0x5c: {  	_ =	shalt  }
0x5d: {  	_ =	shalt  }
0x5e: {  	_ =	shalt  }
0x5f: {  	_ =	shalt  }
0x60: {  	_ =	shalt  }
0x61: {  	_ =	shalt  }
0x62: {  	_ =	shalt  }
0x63: {  	_ =	shalt  }
0x64: {  	_ =	shalt  }
0x65: {  	_ =	shalt  }
0x66: {  	_ =	shalt  }
0x67: {  	_ =	shalt  }
0x68: {  	_ =	shalt  }
0x69: {  	_ =	shalt  }
0x6a: {  	_ =	shalt  }
0x6b: {  	_ =	shalt  }
0x6c: {  	_ =	shalt  }
0x6d: {  	_ =	shalt  }
0x6e: {  	_ =	shalt  }
0x6f: {  	_ =	shalt  }
0x70: {  	_ =	shalt  }
0x71: {  	_ =	shalt  }
0x72: {  	_ =	shalt  }
0x73: {  	_ =	shalt  }
0x74: {  	_ =	shalt  }
0x75: {  	_ =	shalt  }
0x76: {  	_ =	shalt  }
0x77: {  	_ =	shalt  }
0x78: {  	_ =	shalt  }
0x79: {  	_ =	shalt  }
0x7a: {  	_ =	shalt  }
0x7b: {  	_ =	shalt  }
0x7c: {  	_ =	shalt  }
0x7d: {  	_ =	shalt  }
0x7e: {  	_ =	shalt  }
0x7f: {  	_ =	shalt  }
0x80: {  	_ =	shalt  }
0x81: {  	_ =	shalt  }
0x82: {  	_ =	shalt  }
0x83: {  	_ =	shalt  }
0x84: {  	_ =	shalt  }
0x85: {  	_ =	shalt  }
0x86: {  	_ =	shalt  }
0x87: {  	_ =	shalt  }
.Lfunc_end0:
.L_simem_size_0:
called_computation_lowered:
.L_overlay_start_0:
0x88: {  	s2 =	sld [smem:$0x3FD9]  }
0x89: {  	s3 =	sld [smem:$0x3FFE];
	_ =	sdelay $0x1  }
0x8a: {  	s1 =	srdreg.scid  }
0x8b: {  	s0 =	sand.u32 $0x1, s1  }
0x8c: {  	s18 =	sshll.u32 s0, $0xA;
	s2 =	sadd.s32 s3, s2  }
0x8d: {  	s2 =	sadd.s32 s2, s18  }
0x8e: {  	[smem:$0x3FC6] =	sst s2  }
0x8f: {  	_ = 	snop  }
0x90: {  	s2 =	sld [smem:$0x3FC9]  }
0x91: {  	s19 =	sld [smem:$0x3FC8]  }
0x92: {  	s4 =	sld [smem:$0x3FD0];
	(tm) =	ssettm $0x1  }
0x93: {  	s5 =	sld [smem:$0x3FFB];
	_ =	sdelay $0x3  }
0x94: {  	_ =	strace s5  }
0x95: {  	s5 =	sld [smem:$0x3FFC];
	_ =	sdelay $0x3  }
0x96: {  	_ =	strace s5  }
0x97: {  	s5 =	sld [smem:$0x3FFD];
	_ =	sdelay $0x3  }
0x98: {  	_ =	strace s5  }
0x99: {  	_ =	strace $0x8FFFFFFF  }
0x9a: {  	s20 =	sld [smem:$0x3FDB];
	_ =	sdelay $0x1  }
0x9b: {  	s6 =	simm.s32 $_scs_section_size  }
0x9c: {  	s7 =	simm.s32 $_size__tile_overlayer_lowered;
	s8 =	simm.s32 $_tile_overlayer_lowered  }
0x9d: {  	s23 =	simm.s32 $0x1BFF;
	s22 =	sshll.u32 s8, $0x1;
	s5 =	sadd.s32 s6, s20  }
0x9e: {  	s9 =	simm.s32 $0x0;
	s21 =	sshll.u32 s7, $0x1;
	s7 =	sadd.s32 s22, s5  }
0x9f: {  	[timem:s9], [sflag:s23] =	dma.local [hbm:s7], s21  }
0xa0: {  	_ =	swait.ge [sflag:s23], s21  }
0xa1: {  	s6 =	ssub.s32 $0x0, s21;
	[sflag:s23] =	ssyncset.done $0x0  }
0xa2: {  	[sflag:s23] =	ssyncadd.s32 s6;
	_ =	sdelay $0x1  }
0xa3: {  	s24 =	simm.s32 $0x1B8B  }
0xa4: {  	_ =	swait.ge [sflag:s24], $0x1  }
0xa5: {  	[sflag:s24] =	ssyncset.done $0x0  }
0xa6: {  	s25 =	simm.s32 $0x1B8E;
	[sflag:s24] =	ssyncadd.s32 $0xFFFFFFFF  }
0xa7: {  	s26 =	simm.s32 $execute0_lowered;
	[smem:$0x3FD2] =	sst s25  }
0xa8: {  	s6 =	sshll.u32 s26, $0x1;
	_ =	strace $0x80000046;
	[dreg:$0x1] =	wrdreg $0xFFFFFFFF  }
0xa9: {  	s28 =	simm.s32 $_size_execute0_lowered;
	s5 =	sadd.s32 s5, s6;
	[dreg:$0x0] =	wrdreg $0x0  }
0xaa: {  	s6 =	sshll.u32 s28, $0x1;
	[dreg:$0x2] =	wrdreg s5  }
0xab: {  	[dreg:$0x3] =	wrdreg s6  }
0xac: {  	[dreg:$0x4] =	wrdreg $0xC0  }
0xad: {  	_ =	task [dreg:s9], $0x5FFFF  }
0xae: {  	[dreg:$0x1] =	wrdreg $0xFFFFFFFF  }
0xaf: {  	[dreg:$0x0] =	wrdreg $0x60  }
0xb0: {  	[dreg:$0x2] =	wrdreg s2  }
0xb1: {  	[dreg:$0x3] =	wrdreg s19  }
0xb2: {  	[dreg:$0x4] =	wrdreg s4  }
0xb3: {  	[dreg:$0x5] =	wrdreg $0x199000  }
0xb4: {  	[dreg:$0x6] =	wrdreg $0x9  }
0xb5: {  	_ =	task.clear_ibuf [dreg:s9], $0x7FFFF;
	_ =	strace $0x90000046  }
0xb6: {  	s29 =	simm.s32 $0x9;
	_ =	strace $0x80000048  }
0xb7: {  	_ =	swait.ge [sflag:s29], $0x1  }
0xb8: {  	[sflag:s29] =	ssyncadd.s32 $0xFFFFFFFF  }
0xb9: {  	_ =	strace $0x90000048  }
0xba: {  	_ =	sfence  }
0xbb: {  	s30 =	sld [smem:$0x0];
	_ =	sdelay $0x2  }
0xbc: {  	s31 =	sshll.u32 s1, $0xD;
	s1 =	sshrl.u32 s1, $0x2  }
0xbd: {  	s3 =	sand.u32 $0x4000, s31;
	s1 =	sadd.s32 s1, s30  }
0xbe: {  	s0 =	sor.u32 s3, s0;
	s1 =	sshll.u32 s1, $0x11  }
0xbf: {  	s0 =	sor.u32 s1, s0  }
0xc0: {  	s0 =	sadd.s32 $0x8F2B, s0  }
0xc1: {  	[sflag:s0] =	ssyncadd.remote.s32 $0x1  }
0xc2: {  	_ =	sfence.sel $0xFFFF  }
0xc3: {  	[dreg:$0x0] =	wrdreg $0xFFFFFFFF;
	(pc) =	sbr.abs _section_cstart, $3  }
0xc4: {  	[dreg:$0x1] =	wrdreg $0xFFFFFFFF  }
0xc5: {  	_ =	task.clear_ibuf [dreg:s9], $0x2FFFF;
	_ =	strace $0x9FFFFFFF  }
0xc6: {  	(tm) =	ssettm $0x7FFFFFFF  }
0xc7: {  	_ =	shalt  }
tec
execute0_lowered:
.L_overlay_start_1:
0x0: {  	(tag) =	ssettag $0x1  }
0x1: {  	s4 =	rddreg [dreg:$0x0]  }
0x2: {  	s1 =	rddreg [dreg:$0x1]  }
0x3: {  	s6 =	rddreg [dreg:$0x2]  }
0x4: {  	s2 =	rddreg [dreg:$0x3]  }
0x5: {  	s0 =	rddreg [dreg:$0x4]  }
0x6: {  	s5 =	srdreg.scid;
	s7 =	stileid.u32  }
0x7: {  	s3 =	simm.s32 $0x0;
	s13 =	simm.s32 $0x9;
	s14 =	simm.s32 $0xA  }
0x8: {  	s15 =	simm.s32 $0xB;
	s16 =	simm.s32 $0xC;
	s17 =	simm.s32 $0x7  }
0x9: {  	s18 =	simm.s32 $0x8;
	s19 =	simm.s32 $0x0;
	s5 =	sand.u32 $0x1, s5  }
0xa: {  	s8 =	sshrl.u32 s7, $0x2;
	s9 =	sshll.u32 s7, $0x8;
	s29 =	smul.u32 $0x190000, s7  }
0xb: {  	[smem:$0x7FF] =	sst s3;
	p0 =	sne.s32 s7, $0x0;
	s8 =	smul.u32 $0xC800, s8  }
0xc: {  	s10 =	sshll.u32 s5, $0x7;
	s11 =	ssub.s32 $0x2, s5;
	s5 =	smul.u32 $0xC8000, s5  }
0xd: {  	_ =	strace $0x80000047;
	s7 =	sshrl.u32 @!p0 s2, $0x3;
	s9 =	sor.u32 s10, s9  }
0xe: {  	s12 =	sshrl.u32 s11, $0x1;
	s10 =	simm.s32 $0xD;
	s9 =	sand.u32 $0x380, s9  }
0xf: {  	s30 =	ssub.s32 s11, s12;
	s5 =	sadd.s32 s5, s29;
	s11 =	simm.s32 $0x1900  }
0x10: {  	s12 =	simm.s32 $0x5900;
	s8 =	sor.u32 s8, s9;
	s31 =	sshrl.u32 s5, $0x3  }
0x11: {  	s5 =	smax.u32 s30, $0x1;
	s9 =	simm.s32 $0x400;
	s8 =	sshrl.u32 s8, $0x3  }
0x12: {  	s6 =	sadd.s32 s31, s6;
	s4 =	sadd.s32 s4, s8;
	s8 =	simm.s32 $0x80  }
.LBB2_1:
0x13: {  	s20 =	simm.s32 @!p0 $0x1C0D  }
0x14: {  	[spmem:s7], [sflag:s20] =	dma.local @!p0 [hbm:s1], $0x3EA0  }
0x15: {  	s20 =	simm.s32 @!p0 $0xD  }
0x16: {  	_ =	swait.ge @!p0 [sflag:s20], $0x3EA0  }
0x17: {  	p1 =	por $0x0, $0x0;
	[sflag:s20] =	ssyncset.done @!p0 $0x0  }
0x18: {  	s22 =	smul.u32 $0xAB, s3;
	[sflag:s20] =	ssyncadd.s32 @!p0 $0xFFFFC160;
	s20 =	simm.s32 $0x2  }
0x19: {  	[tilespmem:s3], [sflag:$0xD] =	stream.strided.gather [hbm4b:s4+s8], $0x1900, s9, s8, $0x38;
	[tilespmem:$0x1B850] =	vst v63  }
0x1a: {  	s24 =	simm.s32 $0x100;
	s20 =	smul.u32 @!p1 $0xAB, s20  }
0x1b: {  	s21 =	simm.s32 $0x1;
	s22 =	sshrl.u32 s22, $0xA;
	_ =	swait.ge [sflag:s10], $0x1900  }
0x1c: {  	s22 =	sand.u32 $0x3F, s22;
	[sflag:s10] =	ssyncset.done $0x0;
	s20 =	sshrl.u32 @!p1 s20, $0xA  }
0x1d: {  	s22 =	smul.u32 $0x6, s22;
	[sflag:s10] =	ssyncadd.s32 $0xFFFFE700;
	s20 =	sand.u32 @!p1 $0x3F, s20  }
0x1e: {  	s23 =	simm.s32 $0x2;
	[bflag:$0x0] =	sbarrier.arrive $0xFFFF;
	s25 =	smul.u32 @!p1 $0x6, s20  }
0x1f: {  	[tilespmem:s11], [sflag:$0x1] =	stream.indirect.gather [spmem:s2], $0x80, s3, s8, $0xb8;
	[tilespmem:$0x1B850] =	vst v63  }
0x20: {  	p2 =	por @!p1 $0x1, $0x1;
	s22 =	ssub.s32 $0x0, s22;
	s25 =	ssub.s32 @!p1 $0x2, s25  }
0x21: {  	[tilespmem:s12], [sflag:$0x2] =	stream.indirect.gather [spmem:s2], $0x80, s8, s8, $0xb8;
	[tilespmem:$0x1B850] =	vst v63  }
0x22: {  	p2 =	por p2, p1;
	s29 =	sand.u32 $0xFF, s22;
	s25 =	sand.u32 @!p1 $0xFF, s25  }
0x23: {  	s22 =	sadd.s32 $0x800, s6;
	s30 =	sadd.s32 $0x1, s29;
	s26 =	sadd.s32 @!p2 $0x7, s25  }
0x24: {  	s31 =	sshll.u32 s29, $0xE;
	s20 =	simm.s32 $0x180;
	_ =	swait.ge @!p2 [sflag:s26], $0x4000  }
0x25: {  	s28 =	sshll.u32 @!p1 s25, $0xE;
	s25 =	sadd.s32 @!p1 $0x1, s25;
	[sflag:s26] =	ssyncset.done @!p2 $0x0  }
0x26: {  	s28 =	sor.u32 @!p1 $0x1900, s28;
	[sflag:s26] =	ssyncadd.s32 @!p2 $0xFFFFC000;
	s26 =	simm.s32 @!p1 $0x80  }
0x27: {  	[tilespmem:s28], [sflag:s25] =	stream.indirect.gather @!p1 [spmem:s2], $0x80, s24, s26, $0xb8;
	[tilespmem:$0x1B850] =	vst v63  }
0x28: {  	s26 =	sadd.s32 $0x7, s29;
	s25 =	simm.s32 $0x3;
	_ =	swait.ge [sflag:s30], $0x4000  }
0x29: {  	p1 =	por $0x0, $0x0;
	s29 =	sor.u32 $0x1900, s31;
	[sflag:s30] =	ssyncset.done $0x0  }
0x2a: {  	s24 =	smov.u32 s6;
	s28 =	smul.u32 @!p1 $0xAB, s25;
	[sflag:s30] =	ssyncadd.s32 $0xFFFFC000  }
.LBB2_2:
0x2b: {  	[hbm4b:s24+s3] =	stream.linear.scatter [tilespmem:s29], [sflag:s26], $0x4000, $0x38;
	[tilespmem:$0x1B850] =	vst v63  }
0x2c: {  	s26 =	smov.u32 s21;
	s21 =	smov.u32 s23;
	s29 =	smov.u32 s20  }
0x2d: {  	s23 =	sadd.s32 $0x1, s23;
	s24 =	smov.u32 s22;
	s28 =	sshrl.u32 @!p1 s28, $0xA  }
0x2e: {  	p2 =	sne.s32 s23, $0x32;
	s30 =	smul.u32 $0xAB, s26;
	s28 =	sand.u32 @!p1 $0x3F, s28  }
0x2f: {  	s28 =	smul.u32 @!p1 $0x6, s28  }
0x30: {  	s20 =	sadd.s32 $0x80, s20;
	s22 =	sadd.s32 $0x800, s22;
	s30 =	sshrl.u32 s30, $0xA  }
0x31: {  	p3 =	slt.u32 @!p1 s26, $0x4;
	s30 =	sand.u32 $0x3F, s30;
	s25 =	ssub.s32 @!p1 s25, s28  }
0x32: {  	p3 =	por p3, p1;
	s28 =	smul.u32 $0x6, s30;
	s25 =	sand.u32 @!p1 $0xFF, s25  }
0x33: {  	s30 =	sadd.s32 @!p3 $0x7, s25;
	s31 =	sshll.u32 @!p1 s25, $0xE;
	s25 =	sadd.s32 @!p1 $0x1, s25  }
0x34: {  	s26 =	ssub.s32 s26, s28;
	_ =	swait.ge @!p3 [sflag:s30], $0x4000;
	s28 =	sor.u32 @!p1 $0x1900, s31  }
0x35: {  	s31 =	sand.u32 $0xFF, s26;
	s26 =	simm.s32 @!p1 $0x80;
	[sflag:s30] =	ssyncset.done @!p3 $0x0  }
.Ltmp0:
0x36: {  	[sflag:s30] =	ssyncadd.s32 @!p3 $0xFFFFC000;
	s30 =	sadd.s32 $0x1, s31;
	(pc) =	sbr.rel @p2 .LBB2_2-.Ltmp0, $4  }
0x37: {  	[tilespmem:s28], [sflag:s25] =	stream.indirect.gather @!p1 [spmem:s2], $0x80, s29, s26, $0xb8;
	[tilespmem:$0x1B850] =	vst v63  }
0x38: {  	s26 =	sadd.s32 $0x7, s31;
	s29 =	sshll.u32 s31, $0xE;
	_ =	swait.ge [sflag:s30], $0x4000  }
0x39: {  	s25 =	sadd.s32 $0x2, s21;
	p1 =	sgt.u32 s21, $0x2F;
	[sflag:s30] =	ssyncset.done $0x0  }
0x3a: {  	s28 =	smul.u32 @!p1 $0xAB, s25;
	s29 =	sor.u32 $0x1900, s29;
	[sflag:s30] =	ssyncadd.s32 $0xFFFFC000  }
0x3b: {  	[hbm4b:s24+s3] =	stream.linear.scatter [tilespmem:s29], [sflag:s26], $0x4000, $0x38;
	[tilespmem:$0x1B850] =	vst v63  }
0x3c: {  	s23 =	sshrl.u32 @!p1 s28, $0xA  }
0x3d: {  	s28 =	smul.u32 $0xAB, s21;
	s23 =	sand.u32 @!p1 $0x3F, s23  }
0x3e: {  	s23 =	smul.u32 @!p1 $0x6, s23  }
0x3f: {  	s24 =	sshrl.u32 s28, $0xA  }
0x40: {  	p2 =	slt.u32 @!p1 s21, $0x4;
	s24 =	sand.u32 $0x3F, s24;
	s23 =	ssub.s32 @!p1 s25, s23  }
0x41: {  	p2 =	por p2, p1;
	s24 =	smul.u32 $0x6, s24;
	s23 =	sand.u32 @!p1 $0xFF, s23  }
0x42: {  	s25 =	sadd.s32 @!p2 $0x7, s23;
	s26 =	sshll.u32 @!p1 s23, $0xE  }
0x43: {  	s23 =	sadd.s32 @!p1 $0x1, s23;
	s29 =	ssub.s32 s21, s24;
	_ =	swait.ge @!p2 [sflag:s25], $0x4000  }
0x44: {  	s24 =	sor.u32 @!p1 $0x1900, s26;
	s21 =	sand.u32 $0xFF, s29;
	[sflag:s25] =	ssyncset.done @!p2 $0x0  }
0x45: {  	s30 =	sadd.s32 $0x1, s21;
	[sflag:s25] =	ssyncadd.s32 @!p2 $0xFFFFC000;
	s25 =	simm.s32 @!p1 $0x80  }
0x46: {  	[tilespmem:s24], [sflag:s23] =	stream.indirect.gather @!p1 [spmem:s2], $0x80, s20, s25, $0xb8;
	[tilespmem:$0x1B850] =	vst v63  }
0x47: {  	_ =	swait.ge [sflag:s30], $0x4000  }
0x48: {  	s31 =	sshll.u32 s21, $0xE;
	[sflag:s30] =	ssyncset.done $0x0  }
0x49: {  	s21 =	sadd.s32 $0x7, s21;
	s20 =	sor.u32 $0x1900, s31;
	[sflag:s30] =	ssyncadd.s32 $0xFFFFC000  }
0x4a: {  	[hbm4b:s22+s3] =	stream.linear.scatter [tilespmem:s20], [sflag:s21], $0x4000, $0x38;
	[tilespmem:$0x1B850] =	vst v63  }
0x4b: {  	_ =	swait.ge [sflag:s13], $0x4000  }
0x4c: {  	[sflag:s13] =	ssyncset.done $0x0  }
0x4d: {  	[sflag:s13] =	ssyncadd.s32 $0xFFFFC000  }
0x4e: {  	_ =	swait.ge [sflag:s14], $0x4000  }
0x4f: {  	[sflag:s14] =	ssyncset.done $0x0  }
0x50: {  	[sflag:s14] =	ssyncadd.s32 $0xFFFFC000  }
0x51: {  	_ =	swait.ge [sflag:s15], $0x4000  }
0x52: {  	[sflag:s15] =	ssyncset.done $0x0  }
0x53: {  	[sflag:s15] =	ssyncadd.s32 $0xFFFFC000  }
0x54: {  	_ =	swait.ge [sflag:s16], $0x4000  }
0x55: {  	[sflag:s16] =	ssyncset.done $0x0  }
0x56: {  	s19 =	sadd.s32 $0x1, s19;
	[sflag:s16] =	ssyncadd.s32 $0xFFFFC000  }
0x57: {  	p1 =	sne.s32 s19, s5;
	_ =	swait.ge [sflag:s17], $0x4000  }
.Ltmp1:
0x58: {  	[sflag:s17] =	ssyncset.done $0x0;
	(pc) =	sbr.rel @p1 .LBB2_1-.Ltmp1, $4  }
0x59: {  	[sflag:s17] =	ssyncadd.s32 $0xFFFFC000  }
0x5a: {  	_ =	swait.ge [sflag:s18], $0x4000  }
0x5b: {  	[sflag:s18] =	ssyncset.done $0x0  }
0x5c: {  	[sflag:s18] =	ssyncadd.s32 $0xFFFFC000  }
0x5d: {  	_ =	sfence.sel $0x180000  }
0x5e: {  	[bflag:$0x0] =	sbarrier.arrive $0xFFFF  }
0x5f: {  	_ =	strace $0x90000047  }
0x60: {  	s0 =	sadd.s32 @!p0 $0x100000, s0;
	[bflag:$0x2] =	sbarrier.arrive $0xFFFF  }
0x61: {  	[sflag:s0] =	ssyncadd.tile.s32 @!p0 $0x1;
	_ =	shalt  }
.Lfunc_end2:
_tile_overlayer_lowered:
.L_overlay_start_2:
0x62: {  	(tag) =	ssettag $0x2  }
0x63: {  	s0 =	rddreg [dreg:$0x0];
	s2 =	stileid.u32  }
0x64: {  	s1 =	rddreg [dreg:$0x1];
	p0 =	sne.s32 s2, $0x0  }
0x65: {  	s3 =	rddreg [dreg:$0x2];
	[bflag:$0x3] =	sbarrier.arrive $0xFFFF;
	s2 =	simm.s32 @!p0 $0x1C0D  }
0x66: {  	[timem:s3], [sflag:s2] =	dma.local @!p0 [hbm:s0], s1  }
0x67: {  	s0 =	simm.s32 @!p0 $0xD  }
0x68: {  	_ =	swait.ge @!p0 [sflag:s0], s1  }
0x69: {  	s1 =	ssub.s32 @!p0 $0x0, s1;
	[sflag:s0] =	ssyncset.done @!p0 $0x0  }
0x6a: {  	[sflag:s0] =	ssyncadd.s32 @!p0 s1  }
0x6b: {  	[bflag:$0x3] =	sbarrier.arrive $0xFFFF  }
0x6c: {  	_ =	shalt  }

</sc_bundles>
